<compile_context>
chip_gen: v7x
topology: tpu7x:2x2x1
jax: 0.10.2.dev20260603
libtpu: 0.0.44.dev20260713+nightly
codegen_flags: <defaults>
</compile_context>

<pallas_src>
import functools

import jax
import jax.numpy as jnp
from jax import lax
from jax.experimental import pallas as pl
from jax.experimental.pallas import tpu as pltpu
from jax.experimental.pallas import tpu_sc as plsc

_NC = 2
_NS = 16
_NW = _NC * _NS
_G = 128
_ECP = 1600


def _mm_body(x_ref, w_ref, b_ref, o_ref):
    o_ref[...] = (
        jnp.dot(x_ref[...], w_ref[...], preferred_element_type=jnp.float32)
        + b_ref[...]
    )


def _mm(x, w, b, bn=2048):
    n, k = x.shape
    c = w.shape[1]
    npad = -(-n // bn) * bn
    xp = jnp.pad(x, ((0, npad - n), (0, 0)))
    out = pl.pallas_call(
        _mm_body,
        grid=(npad // bn,),
        in_specs=[
            pl.BlockSpec((bn, k), lambda i: (i, 0)),
            pl.BlockSpec((k, c), lambda i: (0, 0)),
            pl.BlockSpec((1, c), lambda i: (0, 0)),
        ],
        out_specs=pl.BlockSpec((bn, c), lambda i: (i, 0)),
        out_shape=jax.ShapeDtypeStruct((npad, c), jnp.float32),
    )(xp, w, b.reshape(1, c))
    return out[:n]


def _mesh():
    return plsc.VectorSubcoreMesh(core_axis_name="c", subcore_axis_name="s")


def _lane_splat(v, i):
    return v.at[jnp.full((16,), i, jnp.int32)].get(mode="promise_in_bounds")


@functools.partial(
    jax.jit,
    static_argnames=("m_pad", "op", "use_ea", "tab_res", "tab_shared",
                     "ec"))
def _seg_pass(s, d, ex, ey, ytab, w0, w1, *, m_pad, op, use_ea,
              tab_res=False, tab_shared=False, ec=4000):
    e = s.shape[0]
    assert e % ec == 0
    n_chunks = e // ec
    c = ytab.shape[1]
    assert c % 16 == 0 and m_pad % _NW == 0
    rpt = m_pad // _NW
    fvecs = c // 16
    init = jnp.float32(-jnp.inf) if op == "max" else jnp.float32(0.0)

    scratch = [
        pltpu.VMEM((ec,), jnp.int32),
        pltpu.VMEM((ec,), jnp.int32),
        pltpu.VMEM((ec,), jnp.float32),
        pltpu.VMEM((ec,), jnp.float32),
        pltpu.VMEM((ec + _G,), jnp.int32),
        pltpu.VMEM((ec + _G,), jnp.int32),
        pltpu.VMEM((ec + _G,), jnp.float32),
        pltpu.VMEM((ec + _G,), jnp.float32),
        pltpu.VMEM((c,), jnp.float32),
        pltpu.VMEM((c,), jnp.float32),
        pltpu.VMEM((ytab.shape[0], c) if tab_res else (_G, c),
                   jnp.float32),
    ] + [pltpu.VMEM(((rpt + 1) * 16,), jnp.float32) for _ in range(fvecs)] + [
        pltpu.SemaphoreType.DMA,
        pltpu.SemaphoreType.DMA,
    ]
    if tab_shared:
        scratch.append(pltpu.VMEM_SHARED((ytab.shape[0], c), jnp.float32))

    @functools.partial(
        pl.kernel,
        out_type=jax.ShapeDtypeStruct((fvecs * m_pad * 16,), jnp.float32),
        mesh=_mesh(),
        scratch_types=scratch,
        compiler_params=pltpu.CompilerParams(needs_layout_passes=False,
                                             use_tc_tiling_on_sc=False),
    )
    def k(s_h, d_h, ex_h, ey_h, yt_h, w0_h, w1_h, out_h, *scr):
        (sv, dv, exv, eyv, osrc, obase, oex, oey, w0v, w1v, rows) = scr[:11]
        accs = scr[11:11 + fvecs]
        if tab_shared:
            dsem, gsem, yt_sh = scr[11 + fvecs:]
        else:
            dsem, gsem = scr[11 + fvecs:]
        wid = lax.axis_index("s") * _NC + lax.axis_index("c")
        lo = wid * rpt
        hi = lo + rpt
        sbase = rpt * 16
        if use_ea:
            pltpu.sync_copy(w0_h, w0v)
            pltpu.sync_copy(w1_h, w1v)
        if tab_res:
            pltpu.sync_copy(yt_h, rows)
        if tab_shared:
            @pl.when(lax.axis_index("s") == 0)
            def _():
                pltpu.sync_copy(yt_h, yt_sh)
            plsc.subcore_barrier()

        def ini(i, _):
            for f in range(fvecs):
                accs[f][pl.ds(i * 16, 16)] = jnp.full((16,), init,
                                                      jnp.float32)
            return 0

        lax.fori_loop(0, rpt + 1, ini, 0)

        def chunk_body(ci, _):
            eb = ci * ec
            cps = [
                pltpu.async_copy(s_h.at[pl.ds(eb, ec)], sv, dsem),
                pltpu.async_copy(d_h.at[pl.ds(eb, ec)], dv, dsem),
            ]
            if use_ea:
                cps.append(pltpu.async_copy(ex_h.at[pl.ds(eb, ec)], exv,
                                            dsem))
                cps.append(pltpu.async_copy(ey_h.at[pl.ds(eb, ec)], eyv,
                                            dsem))
            for cp in cps:
                cp.wait()

            def grp(g, cnt):
                sl = pl.ds(g * 16, 16)
                d16 = dv[sl]
                msk = (d16 >= lo) & (d16 < hi)
                np_ = plsc.all_reduce_population_count(msk)[0]

                @pl.when(np_ > 0)
                def _():
                    b16 = (d16 - lo) * 16
                    plsc.store_compressed(osrc.at[pl.ds(cnt, 16)], sv[sl],
                                          mask=msk)
                    plsc.store_compressed(obase.at[pl.ds(cnt, 16)], b16,
                                          mask=msk)
                    if use_ea:
                        plsc.store_compressed(oex.at[pl.ds(cnt, 16)], exv[sl],
                                              mask=msk)
                        plsc.store_compressed(oey.at[pl.ds(cnt, 16)], eyv[sl],
                                              mask=msk)

                return cnt + np_

            cnt = lax.fori_loop(0, ec // 16, grp, jnp.int32(0), unroll=2)

            zi = jnp.zeros((16,), jnp.int32)
            pb = jnp.full((16,), sbase, jnp.int32)
            zf = jnp.zeros((16,), jnp.float32)
            for kk in range(_G // 16):
                osrc[pl.ds(cnt + kk * 16, 16)] = zi
                obase[pl.ds(cnt + kk * 16, 16)] = pb
                if use_ea:
                    oex[pl.ds(cnt + kk * 16, 16)] = zf
                    oey[pl.ds(cnt + kk * 16, 16)] = zf

            ng = (cnt + _G - 1) // _G

            def pg(g, _):
                go = g * _G
                if not tab_res:
                    ysrc = yt_sh if tab_shared else yt_h
                    pltpu.async_copy(ysrc.at[osrc.at[pl.ds(go, _G)]], rows,
                                     gsem).wait()

                def pj(j, _):
                    jo = go + j * 16
                    b16 = obase[pl.ds(jo, 16)]
                    if tab_res:
                        s16 = osrc[pl.ds(jo, 16)]
                    if use_ea:
                        ex16 = oex[pl.ds(jo, 16)]
                        ey16 = oey[pl.ds(jo, 16)]
                        w0f = [w0v[pl.ds(f * 16, 16)] for f in range(fvecs)]
                        w1f = [w1v[pl.ds(f * 16, 16)] for f in range(fvecs)]
                    for i in range(16):
                        rb = b16[i]
                        asl = pl.ds(rb, 16)
                        row_i = s16[i] if tab_res else j * 16 + i
                        if use_ea:
                            exb = _lane_splat(ex16, i)
                            eyb = _lane_splat(ey16, i)
                        for f in range(fvecs):
                            val = rows[row_i, pl.ds(f * 16, 16)]
                            if use_ea:
                                val = val + exb * w0f[f] + eyb * w1f[f]
                            if op == "max":
                                accs[f][asl] = jnp.maximum(accs[f][asl], val)
                            else:
                                accs[f][asl] = accs[f][asl] + val
                    return 0

                lax.fori_loop(0, _G // 16, pj, 0)
                return 0

            lax.fori_loop(0, ng, pg, 0)
            return 0

        lax.fori_loop(0, n_chunks, chunk_body, 0)
        for f in range(fvecs):
            pltpu.sync_copy(
                accs[f].at[pl.ds(0, rpt * 16)],
                out_h.at[pl.ds(f * m_pad * 16 + lo * 16, rpt * 16)])

    out = k(s, d, ex, ey, ytab, w0, w1)
    return (out.reshape(fvecs, m_pad, 16).transpose(1, 0, 2)
            .reshape(m_pad * c))


@functools.partial(jax.jit, static_argnames=("maxv", "has_map"))
def _prep_call(s, d, mp, posx, posy, *, maxv, has_map):
    e = s.shape[0]
    per_w = e // _NW
    assert per_w % _ECP == 0
    n_chunks = per_w // _ECP
    t = posx.shape[0]

    scratch = [
        pltpu.VMEM((_ECP,), jnp.int32),
        pltpu.VMEM((_ECP,), jnp.int32),
        pltpu.VMEM((_ECP,), jnp.int32),
        pltpu.VMEM((_ECP,), jnp.int32),
        pltpu.VMEM((_ECP,), jnp.float32),
        pltpu.VMEM((_ECP,), jnp.float32),
        pltpu.VMEM((t,), jnp.float32),
        pltpu.VMEM((t,), jnp.float32),
        pltpu.SemaphoreType.DMA,
    ]
    if has_map:
        scratch.append(pltpu.VMEM((mp.shape[0],), jnp.int32))

    out_type = [
        jax.ShapeDtypeStruct((e,), jnp.int32),
        jax.ShapeDtypeStruct((e,), jnp.int32),
        jax.ShapeDtypeStruct((e,), jnp.float32),
        jax.ShapeDtypeStruct((e,), jnp.float32),
    ]

    @functools.partial(pl.kernel, out_type=out_type, mesh=_mesh(),
                       scratch_types=scratch,
                       compiler_params=pltpu.CompilerParams(
                           needs_layout_passes=False))
    def k(*refs):
        if has_map:
            (s_h, d_h, mp_h, px_h, py_h, so_h, do_h, ex_h, ey_h, sv, dv, so,
             do, exo, eyo, pxv, pyv, dsem, mpv) = refs
        else:
            (s_h, d_h, px_h, py_h, so_h, do_h, ex_h, ey_h, sv, dv, so, do,
             exo, eyo, pxv, pyv, dsem) = refs
        wid = lax.axis_index("s") * _NC + lax.axis_index("c")
        base_w = wid * per_w
        if has_map:
            pltpu.sync_copy(mp_h, mpv)
        pltpu.sync_copy(px_h, pxv)
        pltpu.sync_copy(py_h, pyv)

        def chunk_body(ci, _):
            eb = base_w + ci * _ECP
            c1 = pltpu.async_copy(s_h.at[pl.ds(eb, _ECP)], sv, dsem)
            c2 = pltpu.async_copy(d_h.at[pl.ds(eb, _ECP)], dv, dsem)
            c1.wait()
            c2.wait()

            def grp(g, _):
                sl = pl.ds(g * 16, 16)
                s16 = sv[sl]
                d16 = dv[sl]
                if has_map:
                    s16 = plsc.load_gather(mpv, [s16])
                    d16 = plsc.load_gather(mpv, [d16])
                pxs = plsc.load_gather(pxv, [s16])
                pxd = plsc.load_gather(pxv, [d16])
                pys = plsc.load_gather(pyv, [s16])
                pyd = plsc.load_gather(pyv, [d16])
                ex = jnp.clip((pxd - pxs) / (2.0 * maxv) + 0.5, 0.0, 1.0)
                ey = jnp.clip((pyd - pys) / (2.0 * maxv) + 0.5, 0.0, 1.0)
                so[sl] = s16
                do[sl] = d16
                exo[sl] = ex
                eyo[sl] = ey
                return 0

            lax.fori_loop(0, _ECP // 16, grp, 0)
            o1 = pltpu.async_copy(so, so_h.at[pl.ds(eb, _ECP)], dsem)
            o2 = pltpu.async_copy(do, do_h.at[pl.ds(eb, _ECP)], dsem)
            o3 = pltpu.async_copy(exo, ex_h.at[pl.ds(eb, _ECP)], dsem)
            o4 = pltpu.async_copy(eyo, ey_h.at[pl.ds(eb, _ECP)], dsem)
            o1.wait()
            o2.wait()
            o3.wait()
            o4.wait()
            return 0

        lax.fori_loop(0, n_chunks, chunk_body, 0)

    if has_map:
        return k(s, d, mp, posx, posy)
    return k(s, d, posx, posy)


def _prep(s, d, mp, posx, posy, maxv):
    if mp is None:
        return _prep_call(s, d, jnp.zeros((8,), jnp.int32), posx, posy,
                          maxv=maxv, has_map=False)
    return _prep_call(s, d, mp, posx, posy, maxv=maxv, has_map=True)


def _tab_mode(n, c):
    b = n * c * 4
    return {"tab_res": b <= 300000,
            "tab_shared": 300000 < b <= 2400000}


def _pick_ec(n_tab, c, m_pad, tab_res):
    fvecs = c // 16
    rpt = m_pad // _NW
    fixed = ((n_tab * c * 4 if tab_res else _G * c * 4)
             + (rpt + 1) * 16 * 4 * fvecs + 2 * c * 4)
    for ec in (8000, 4000):
        if 8 * ec * 4 + 4 * _G * 4 + fixed <= 440000:
            return ec
    return 4000


def _cid(pos, batch, gx, gy):
    ix = jnp.clip((pos[:, 0] * gx).astype(jnp.int32), 0, gx - 1)
    iy = jnp.clip((pos[:, 1] * gy).astype(jnp.int32), 0, gy - 1)
    return batch.astype(jnp.int32) * (gx * gy) + iy * gx + ix


def _pad_to(a, n, val):
    return jnp.concatenate(
        [a, jnp.full((n - a.shape[0],), val, a.dtype)])


def _pool_sc(h, pos, batch, gx, gy, m, m_pad, mean):
    n, c = h.shape
    cid = _cid(pos, batch, gx, gy)
    ecx = _pick_ec(n, c, m_pad, _tab_mode(n, c)["tab_res"])
    ecp = _pick_ec(n, 16, m_pad, _tab_mode(n, 16)["tab_res"])
    ec = min(ecx, ecp)
    npad = -(-n // ec) * ec
    si = _pad_to(jnp.arange(n, dtype=jnp.int32), npad, 0)
    dc = _pad_to(cid, npad, -1)
    z = jnp.zeros((npad,), jnp.float32)
    dmy = jnp.zeros((c,), jnp.float32)
    xs = _seg_pass(si, dc, z, z, h, dmy, dmy, m_pad=m_pad,
                   op=("add" if mean else "max"), use_ea=False,
                   ec=ec, **_tab_mode(n, c))
    p16 = jnp.concatenate(
        [pos, jnp.ones((n, 1), jnp.float32), jnp.zeros((n, 12), jnp.float32)],
        axis=1)
    d16 = jnp.zeros((16,), jnp.float32)
    ps = _seg_pass(si, dc, z, z, p16, d16, d16, m_pad=m_pad, op="add",
                   use_ea=False, ec=ec,
                   **_tab_mode(n, 16)).reshape(m_pad, 16)[:m]
    cnt = ps[:, 3:4]
    posp = ps[:, :3] / jnp.maximum(cnt, 1.0)
    xs = xs.reshape(m_pad, c)[:m]
    if mean:
        xp = xs / jnp.maximum(cnt, 1.0)
    else:
        xp = jnp.where(jnp.isfinite(xs), xs, 0.0)
    batchp = (jnp.arange(m) // (gx * gy)).astype(jnp.int32)
    return xp, posp, batchp, cid


def _layer_sc(xc, s, d, ex, ey, wm, wr, b, n_pad):
    cin = xc.shape[1]
    c = wm.shape[1]
    w = jnp.concatenate([wm[:cin], wr], axis=1)
    bb = jnp.concatenate([jnp.zeros((c,), jnp.float32), b])
    yr = _mm(xc, w, bb)
    y, r = yr[:, :c], yr[:, c:]
    tm = _tab_mode(xc.shape[0], c)
    agg = _seg_pass(s, d, ex, ey, y, wm[cin], wm[cin + 1], m_pad=n_pad,
                    op="max", use_ea=True,
                    ec=_pick_ec(xc.shape[0], c, n_pad, tm["tab_res"]), **tm)
    agg = agg.reshape(n_pad, c)[:xc.shape[0]]
    agg = jnp.where(jnp.isfinite(agg), agg, 0.0)
    return jax.nn.relu(agg + r)


def kernel(x, pos, batch, edge_index, Wm1, Wr1, b1, Wm2, Wr2, b2, Wm3, Wr3,
           b3, Wm4, Wr4, b4, Wm5, Wr5, b5):
    e = edge_index.shape[1]
    s0, d0 = edge_index[0], edge_index[1]
    wchunk = _NW * _ECP
    epp = -(-e // wchunk) * wchunk
    s0p = _pad_to(s0, epp, 0)
    d0p = _pad_to(d0, epp, 0)

    _, _, ex1, ey1 = _prep(s0p, d0p, None, pos[:, 0], pos[:, 1], 0.025)
    xc = jnp.concatenate([x, pos[:, :2]], axis=1)
    h = _layer_sc(xc, s0, d0, ex1[:e], ey1[:e], Wm1, Wr1, b1, 50016)

    h, pos2, bt, cid1 = _pool_sc(h, pos, batch, 56, 40, 8960, 8960, False)
    s2, d2, ex2, ey2 = _prep(s0p, d0p, cid1, pos2[:, 0], pos2[:, 1], 0.05)
    xc = jnp.concatenate([h, pos2[:, :2]], axis=1)
    h = _layer_sc(xc, s2[:e], d2[:e], ex2[:e], ey2[:e], Wm2, Wr2, b2, 8960)

    h, pos3, bt, cid2 = _pool_sc(h, pos2, bt, 28, 20, 2240, 2240, False)
    s3, d3, ex3, ey3 = _prep(s2, d2, cid2, pos3[:, 0], pos3[:, 1], 0.1)
    xc = jnp.concatenate([h, pos3[:, :2]], axis=1)
    h = _layer_sc(xc, s3[:e], d3[:e], ex3[:e], ey3[:e], Wm3, Wr3, b3, 2240)

    h, pos4, bt, cid3 = _pool_sc(h, pos3, bt, 14, 10, 560, 576, False)
    s4, d4, ex4, ey4 = _prep(s3, d3, cid3, pos4[:, 0], pos4[:, 1], 0.2)
    xc = jnp.concatenate([h, pos4[:, :2]], axis=1)
    h = _layer_sc(xc, s4[:e], d4[:e], ex4[:e], ey4[:e], Wm4, Wr4, b4, 576)

    h, pos5, bt, cid4 = _pool_sc(h, pos4, bt, 7, 5, 140, 160, True)
    s5, d5, ex5, ey5 = _prep(s4, d4, cid4, pos5[:, 0], pos5[:, 1], 0.4)
    xc = jnp.concatenate([h, pos5[:, :2]], axis=1)
    h = _layer_sc(xc, s5[:e], d5[:e], ex5[:e], ey5[:e], Wm5, Wr5, b5, 160)
    return h

# --- scband reference (transcript-rebuilt; emitter-appended) ---
"""Pipeline reference for scband-net-14577119003083 (READ-ONLY COPY).

The authoritative reference and input builder live on the scoring server;
editing this copy changes nothing except your own understanding.
"""

import jax, jax.numpy as jnp
import numpy as np


def _cart(pos, ei, maxv):
    d = pos[ei[1], :2] - pos[ei[0], :2]
    return jnp.clip(d / (2.0 * maxv) + 0.5, 0.0, 1.0)


def _layer(x, ei, ea, Wm, Wr, b):
    m = jnp.concatenate([x[ei[0]], ea], axis=1) @ Wm
    agg = jax.ops.segment_max(m, ei[1], num_segments=x.shape[0])
    agg = jnp.where(jnp.isfinite(agg), agg, 0.0)
    return jax.nn.relu(agg + x @ Wr + b)


def _pool(x, pos, batch, ei, gx, gy, bsz, aggr):
    ix = jnp.clip((pos[:, 0] * gx).astype(jnp.int32), 0, gx - 1)
    iy = jnp.clip((pos[:, 1] * gy).astype(jnp.int32), 0, gy - 1)
    cid = batch.astype(jnp.int32) * (gx * gy) + iy * gx + ix
    M = bsz * gx * gy
    ones = jnp.ones((x.shape[0], 1), x.dtype)
    cnt = jax.ops.segment_sum(ones, cid, num_segments=M)
    if aggr == 'max':
        xp = jax.ops.segment_max(x, cid, num_segments=M)
        xp = jnp.where(jnp.isfinite(xp), xp, 0.0)
    else:
        xp = jax.ops.segment_sum(x, cid, num_segments=M) / jnp.maximum(cnt, 1.0)
    posp = jax.ops.segment_sum(pos, cid, num_segments=M) / jnp.maximum(cnt, 1.0)
    batchp = (jnp.arange(M) // (gx * gy)).astype(jnp.int32)
    eip = cid[ei]
    return xp, posp, batchp, eip


def _forward(x, pos, batch, edge_index, params):
    ei = edge_index
    ea = _cart(pos, ei, 0.025)
    x = jnp.concatenate([x, pos[:, :2]], axis=1)
    x = _layer(x, ei, ea, params['Wm1'], params['Wr1'], params['b1'])
    x, pos, batch, ei = _pool(x, pos, batch, ei, 56, 40, 4, 'max')
    ea = _cart(pos, ei, 0.05)
    x = jnp.concatenate([x, pos[:, :2]], axis=1)
    x = _layer(x, ei, ea, params['Wm2'], params['Wr2'], params['b2'])
    x, pos, batch, ei = _pool(x, pos, batch, ei, 28, 20, 4, 'max')
    ea = _cart(pos, ei, 0.1)
    x = jnp.concatenate([x, pos[:, :2]], axis=1)
    x = _layer(x, ei, ea, params['Wm3'], params['Wr3'], params['b3'])
    x, pos, batch, ei = _pool(x, pos, batch, ei, 14, 10, 4, 'max')
    ea = _cart(pos, ei, 0.2)
    x = jnp.concatenate([x, pos[:, :2]], axis=1)
    x = _layer(x, ei, ea, params['Wm4'], params['Wr4'], params['b4'])
    x, pos, batch, ei = _pool(x, pos, batch, ei, 7, 5, 4, 'mean')
    ea = _cart(pos, ei, 0.4)
    x = jnp.concatenate([x, pos[:, :2]], axis=1)
    x = _layer(x, ei, ea, params['Wm5'], params['Wr5'], params['b5'])
    return x


def setup_inputs(seed: int = 0):
    key = jax.random.key(seed)
    ks = jax.random.split(key, 20)
    N = 50000
    E = 800000
    x = jax.random.uniform(ks[0], (N, 1), dtype=jnp.float32)
    pos = jax.random.uniform(ks[1], (N, 3), dtype=jnp.float32)
    batch = jnp.sort(jax.random.randint(ks[2], (N,), 0, 4)).astype(jnp.int32)
    edge_index = jax.random.randint(ks[3], (2, E), 0, N).astype(jnp.int32)
    dims = [(3, 32), (34, 64), (66, 128), (130, 128), (130, 128)]
    out = {'x': x, 'pos': pos, 'batch': batch, 'edge_index': edge_index}
    ki = 4
    for li, (cin, cout) in enumerate(dims):
        out['Wm%d' % (li + 1)] = jax.random.normal(ks[ki], (cin + 2, cout), dtype=jnp.float32) / np.sqrt(cin + 2)
        ki += 1
        out['Wr%d' % (li + 1)] = jax.random.normal(ks[ki], (cin, cout), dtype=jnp.float32) / np.sqrt(cin)
        ki += 1
        out['b%d' % (li + 1)] = jnp.zeros((cout,), dtype=jnp.float32)
        ki += 1
    return out


def reference(x, pos, batch, edge_index, Wm1, Wr1, b1, Wm2, Wr2, b2, Wm3, Wr3, b3, Wm4, Wr4, b4, Wm5, Wr5, b5):
    params = {'Wm1': Wm1, 'Wr1': Wr1, 'b1': b1, 'Wm2': Wm2, 'Wr2': Wr2, 'b2': b2, 'Wm3': Wm3, 'Wr3': Wr3, 'b3': b3, 'Wm4': Wm4, 'Wr4': Wr4, 'b4': b4, 'Wm5': Wm5, 'Wr5': Wr5, 'b5': b5}
    return _forward(x, pos, batch, edge_index, params)

if __name__ == "__main__":
    import jax
    _d = setup_inputs()
    print(jax.jit(kernel)(*tuple(_d.values())))

</pallas_src>

<mosaic_0001>
#map = affine_map<(d0, d1) -> (0)>
module attributes {stable_mosaic.version = 14 : i64} {
  func.func @k(%arg0: i32, %arg1: i32, %arg2: memref<819200xi32, #tpu.memory_space<hbm>>, %arg3: memref<819200xi32, #tpu.memory_space<hbm>>, %arg4: memref<50000xf32, #tpu.memory_space<hbm>>, %arg5: memref<50000xf32, #tpu.memory_space<hbm>>, %arg6: memref<819200xi32, #tpu.memory_space<hbm>>, %arg7: memref<819200xi32, #tpu.memory_space<hbm>>, %arg8: memref<819200xf32, #tpu.memory_space<hbm>>, %arg9: memref<819200xf32, #tpu.memory_space<hbm>>, %arg10: memref<1600xi32, #tpu.memory_space<vmem>>, %arg11: memref<1600xi32, #tpu.memory_space<vmem>>, %arg12: memref<1600xi32, #tpu.memory_space<vmem>>, %arg13: memref<1600xi32, #tpu.memory_space<vmem>>, %arg14: memref<1600xf32, #tpu.memory_space<vmem>>, %arg15: memref<1600xf32, #tpu.memory_space<vmem>>, %arg16: memref<50000xf32, #tpu.memory_space<vmem>>, %arg17: memref<50000xf32, #tpu.memory_space<vmem>>, %arg18: memref<!tpu.dma_semaphore, #tpu.memory_space<semaphore_mem>>) attributes {dimension_semantics = [#tpu.dimension_semantics<core_parallel>, #tpu.dimension_semantics<subcore_parallel>], iteration_bounds = array<i64: 2, 16>, scalar_prefetch = 0 : i64, scratch_operands = 9 : i64, tpu.core_type = #tpu.core_type<sc_vector_subcore>, window_params = [{transform_indices = #map}, {transform_indices = #map}, {transform_indices = #map}, {transform_indices = #map}, {transform_indices = #map}, {transform_indices = #map}, {transform_indices = #map}, {transform_indices = #map}]} {
    %mul3A = arith.constant 2 : i32
    %mul3A_0 = arith.muli %arg1, %mul3A : i32
    %add3A = arith.addi %mul3A_0, %arg0 : i32
    %mul3A_1 = arith.constant 25600 : i32
    %mul3A_2 = arith.muli %add3A, %mul3A_1 : i32
    "tpu.region"() ({
      %run_scoped3A = tpu.sem_alloc : memref<!tpu.dma_semaphore, #tpu.memory_space<semaphore_mem>>
      tpu.enqueue_dma source(%arg4 : memref<50000xf32, #tpu.memory_space<hbm>>) target(%arg16 : memref<50000xf32, #tpu.memory_space<vmem>>) target_semaphore(%run_scoped3A : memref<!tpu.dma_semaphore, #tpu.memory_space<semaphore_mem>>)
      tpu.wait_dma2 semaphore(%run_scoped3A : memref<!tpu.dma_semaphore, #tpu.memory_space<semaphore_mem>>) src(%arg4 : memref<50000xf32, #tpu.memory_space<hbm>>) dst(%arg16 : memref<50000xf32, #tpu.memory_space<vmem>>)
      tpu.yield
    }) : () -> ()
    "tpu.region"() ({
      %run_scoped3A = tpu.sem_alloc : memref<!tpu.dma_semaphore, #tpu.memory_space<semaphore_mem>>
      tpu.enqueue_dma source(%arg5 : memref<50000xf32, #tpu.memory_space<hbm>>) target(%arg17 : memref<50000xf32, #tpu.memory_space<vmem>>) target_semaphore(%run_scoped3A : memref<!tpu.dma_semaphore, #tpu.memory_space<semaphore_mem>>)
      tpu.wait_dma2 semaphore(%run_scoped3A : memref<!tpu.dma_semaphore, #tpu.memory_space<semaphore_mem>>) src(%arg5 : memref<50000xf32, #tpu.memory_space<hbm>>) dst(%arg17 : memref<50000xf32, #tpu.memory_space<vmem>>)
      tpu.yield
    }) : () -> ()
    %scan3A = arith.constant 0 : i32
    %scan3A_3 = arith.constant 0 : i32
    %scan3A_4 = arith.constant 16 : i32
    %scan3A_5 = arith.addi %scan3A_3, %scan3A_4 : i32
    %scan3A_6 = arith.constant 1 : i32
    %scan3A_7 = scf.for %scan3A_9 = %scan3A_3 to %scan3A_5 step %scan3A_6 iter_args(%scan3A_10 = %scan3A) -> (i32)  : i32 {
      %mul3A_11 = arith.constant 1600 : i32
      %mul3A_12 = arith.muli %scan3A_9, %mul3A_11 : i32
      %add3A_13 = arith.addi %mul3A_2, %mul3A_12 : i32
      %dma_start3A = tpu.memref_slice %arg2[%add3A_13] : memref<819200xi32, #tpu.memory_space<hbm>> -> memref<1600xi32, #tpu.memory_space<hbm>>
      %dma_start3A_14 = tpu.memref_slice %arg2[%add3A_13] : memref<819200xi32, #tpu.memory_space<hbm>> -> memref<1600xi32, #tpu.memory_space<hbm>>
      tpu.enqueue_dma source(%dma_start3A_14 : memref<1600xi32, #tpu.memory_space<hbm>>) target(%arg10 : memref<1600xi32, #tpu.memory_space<vmem>>) target_semaphore(%arg18 : memref<!tpu.dma_semaphore, #tpu.memory_space<semaphore_mem>>)
      %dma_start3A_15 = tpu.memref_slice %arg3[%add3A_13] : memref<819200xi32, #tpu.memory_space<hbm>> -> memref<1600xi32, #tpu.memory_space<hbm>>
      %dma_start3A_16 = tpu.memref_slice %arg3[%add3A_13] : memref<819200xi32, #tpu.memory_space<hbm>> -> memref<1600xi32, #tpu.memory_space<hbm>>
      tpu.enqueue_dma source(%dma_start3A_16 : memref<1600xi32, #tpu.memory_space<hbm>>) target(%arg11 : memref<1600xi32, #tpu.memory_space<vmem>>) target_semaphore(%arg18 : memref<!tpu.dma_semaphore, #tpu.memory_space<semaphore_mem>>)
      %dma_wait3A = tpu.memref_slice %arg2[%add3A_13] : memref<819200xi32, #tpu.memory_space<hbm>> -> memref<1600xi32, #tpu.memory_space<hbm>>
      %dma_wait3A_17 = tpu.memref_slice %arg2[%add3A_13] : memref<819200xi32, #tpu.memory_space<hbm>> -> memref<1600xi32, #tpu.memory_space<hbm>>
      tpu.wait_dma2 semaphore(%arg18 : memref<!tpu.dma_semaphore, #tpu.memory_space<semaphore_mem>>) src(%dma_wait3A_17 : memref<1600xi32, #tpu.memory_space<hbm>>) dst(%arg10 : memref<1600xi32, #tpu.memory_space<vmem>>)
      %dma_wait3A_18 = tpu.memref_slice %arg3[%add3A_13] : memref<819200xi32, #tpu.memory_space<hbm>> -> memref<1600xi32, #tpu.memory_space<hbm>>
      %dma_wait3A_19 = tpu.memref_slice %arg3[%add3A_13] : memref<819200xi32, #tpu.memory_space<hbm>> -> memref<1600xi32, #tpu.memory_space<hbm>>
      tpu.wait_dma2 semaphore(%arg18 : memref<!tpu.dma_semaphore, #tpu.memory_space<semaphore_mem>>) src(%dma_wait3A_19 : memref<1600xi32, #tpu.memory_space<hbm>>) dst(%arg11 : memref<1600xi32, #tpu.memory_space<vmem>>)
      %scan3A_20 = arith.constant 0 : i32
      %scan3A_21 = arith.constant 0 : i32
      %scan3A_22 = arith.constant 100 : i32
      %scan3A_23 = arith.addi %scan3A_21, %scan3A_22 : i32
      %scan3A_24 = arith.constant 1 : i32
      %scan3A_25 = scf.for %scan3A_44 = %scan3A_21 to %scan3A_23 step %scan3A_24 iter_args(%scan3A_45 = %scan3A_20) -> (i32)  : i32 {
        %mul3A_46 = arith.constant 16 : i32
        %mul3A_47 = arith.muli %scan3A_44, %mul3A_46 : i32
        %get3A = arith.index_cast %mul3A_47 : i32 to index
        %get3A_48 = tpu.vector_load %arg10[%get3A] {strides = array<i32>} : memref<1600xi32, #tpu.memory_space<vmem>>, vector<16xi32>,
        %get3A_49 = arith.index_cast %mul3A_47 : i32 to index
        %get3A_50 = tpu.vector_load %arg11[%get3A_49] {strides = array<i32>} : memref<1600xi32, #tpu.memory_space<vmem>>, vector<16xi32>,
        %gather3A = tpu.vector_load_idx %arg16[%get3A_48] : memref<50000xf32, #tpu.memory_space<vmem>>[vector<16xi32>], vector<16xf32>,
        %gather3A_51 = tpu.vector_load_idx %arg16[%get3A_50] : memref<50000xf32, #tpu.memory_space<vmem>>[vector<16xi32>], vector<16xf32>,
        %gather3A_52 = tpu.vector_load_idx %arg17[%get3A_48] : memref<50000xf32, #tpu.memory_space<vmem>>[vector<16xi32>], vector<16xf32>,
        %gather3A_53 = tpu.vector_load_idx %arg17[%get3A_50] : memref<50000xf32, #tpu.memory_space<vmem>>[vector<16xi32>], vector<16xf32>,
        %sub3A = arith.subf %gather3A_51, %gather3A : vector<16xf32>
        %div3A = arith.constant 5.000000e-02 : f32
        %div3A_54 = vector.broadcast %div3A : f32 to vector<16xf32>
        %div3A_55 = arith.divf %sub3A, %div3A_54 : vector<16xf32>
        %add3A_56 = arith.constant 5.000000e-01 : f32
        %add3A_57 = vector.broadcast %add3A_56 : f32 to vector<16xf32>
        %add3A_58 = arith.addf %div3A_55, %add3A_57 : vector<16xf32>
        %jit3A = arith.constant 0.000000e+00 : f32
        %jit3A_59 = arith.constant 1.000000e+00 : f32
        %max3A = vector.broadcast %jit3A : f32 to vector<16xf32>
        %max3A_60 = arith.maximumf %max3A, %add3A_58 : vector<16xf32>
        %min3A = vector.broadcast %jit3A_59 : f32 to vector<16xf32>
        %min3A_61 = arith.minimumf %min3A, %max3A_60 : vector<16xf32>
        %sub3A_62 = arith.subf %gather3A_53, %gather3A_52 : vector<16xf32>
        %div3A_63 = arith.constant 5.000000e-02 : f32
        %div3A_64 = vector.broadcast %div3A_63 : f32 to vector<16xf32>
        %div3A_65 = arith.divf %sub3A_62, %div3A_64 : vector<16xf32>
        %add3A_66 = arith.constant 5.000000e-01 : f32
        %add3A_67 = vector.broadcast %add3A_66 : f32 to vector<16xf32>
        %add3A_68 = arith.addf %div3A_65, %add3A_67 : vector<16xf32>
        %jit3A_69 = arith.constant 0.000000e+00 : f32
        %jit3A_70 = arith.constant 1.000000e+00 : f32
        %max3A_71 = vector.broadcast %jit3A_69 : f32 to vector<16xf32>
        %max3A_72 = arith.maximumf %max3A_71, %add3A_68 : vector<16xf32>
        %min3A_73 = vector.broadcast %jit3A_70 : f32 to vector<16xf32>
        %min3A_74 = arith.minimumf %min3A_73, %max3A_72 : vector<16xf32>
        %swap3A = arith.index_cast %mul3A_47 : i32 to index
        %swap3A_75 = tpu.vector_load %arg12[%swap3A] {strides = array<i32>} : memref<1600xi32, #tpu.memory_space<vmem>>, vector<16xi32>,
        tpu.vector_store %arg12[%swap3A], %get3A_48 {strides = array<i32>} : memref<1600xi32, #tpu.memory_space<vmem>>, vector<16xi32>,
        %swap3A_76 = arith.index_cast %mul3A_47 : i32 to index
        %swap3A_77 = tpu.vector_load %arg13[%swap3A_76] {strides = array<i32>} : memref<1600xi32, #tpu.memory_space<vmem>>, vector<16xi32>,
        tpu.vector_store %arg13[%swap3A_76], %get3A_50 {strides = array<i32>} : memref<1600xi32, #tpu.memory_space<vmem>>, vector<16xi32>,
        %swap3A_78 = arith.index_cast %mul3A_47 : i32 to index
        %swap3A_79 = tpu.vector_load %arg14[%swap3A_78] {strides = array<i32>} : memref<1600xf32, #tpu.memory_space<vmem>>, vector<16xf32>,
        tpu.vector_store %arg14[%swap3A_78], %min3A_61 {strides = array<i32>} : memref<1600xf32, #tpu.memory_space<vmem>>, vector<16xf32>,
        %swap3A_80 = arith.index_cast %mul3A_47 : i32 to index
        %swap3A_81 = tpu.vector_load %arg15[%swap3A_80] {strides = array<i32>} : memref<1600xf32, #tpu.memory_space<vmem>>, vector<16xf32>,
        tpu.vector_store %arg15[%swap3A_80], %min3A_74 {strides = array<i32>} : memref<1600xf32, #tpu.memory_space<vmem>>, vector<16xf32>,
        %scan3A_82 = arith.constant 0 : i32
        scf.yield %scan3A_82 : i32
      }
      %scan3A_26 = arith.constant 100 : i32
      %dma_start3A_27 = tpu.memref_slice %arg6[%add3A_13] : memref<819200xi32, #tpu.memory_space<hbm>> -> memref<1600xi32, #tpu.memory_space<hbm>>
      %dma_start3A_28 = tpu.memref_slice %arg6[%add3A_13] : memref<819200xi32, #tpu.memory_space<hbm>> -> memref<1600xi32, #tpu.memory_space<hbm>>
      tpu.enqueue_dma source(%arg12 : memref<1600xi32, #tpu.memory_space<vmem>>) target(%dma_start3A_28 : memref<1600xi32, #tpu.memory_space<hbm>>) target_semaphore(%arg18 : memref<!tpu.dma_semaphore, #tpu.memory_space<semaphore_mem>>)
      %dma_start3A_29 = tpu.memref_slice %arg7[%add3A_13] : memref<819200xi32, #tpu.memory_space<hbm>> -> memref<1600xi32, #tpu.memory_space<hbm>>
      %dma_start3A_30 = tpu.memref_slice %arg7[%add3A_13] : memref<819200xi32, #tpu.memory_space<hbm>> -> memref<1600xi32, #tpu.memory_space<hbm>>
      tpu.enqueue_dma source(%arg13 : memref<1600xi32, #tpu.memory_space<vmem>>) target(%dma_start3A_30 : memref<1600xi32, #tpu.memory_space<hbm>>) target_semaphore(%arg18 : memref<!tpu.dma_semaphore, #tpu.memory_space<semaphore_mem>>)
      %dma_start3A_31 = tpu.memref_slice %arg8[%add3A_13] : memref<819200xf32, #tpu.memory_space<hbm>> -> memref<1600xf32, #tpu.memory_space<hbm>>
      %dma_start3A_32 = tpu.memref_slice %arg8[%add3A_13] : memref<819200xf32, #tpu.memory_space<hbm>> -> memref<1600xf32, #tpu.memory_space<hbm>>
      tpu.enqueue_dma source(%arg14 : memref<1600xf32, #tpu.memory_space<vmem>>) target(%dma_start3A_32 : memref<1600xf32, #tpu.memory_space<hbm>>) target_semaphore(%arg18 : memref<!tpu.dma_semaphore, #tpu.memory_space<semaphore_mem>>)
      %dma_start3A_33 = tpu.memref_slice %arg9[%add3A_13] : memref<819200xf32, #tpu.memory_space<hbm>> -> memref<1600xf32, #tpu.memory_space<hbm>>
      %dma_start3A_34 = tpu.memref_slice %arg9[%add3A_13] : memref<819200xf32, #tpu.memory_space<hbm>> -> memref<1600xf32, #tpu.memory_space<hbm>>
      tpu.enqueue_dma source(%arg15 : memref<1600xf32, #tpu.memory_space<vmem>>) target(%dma_start3A_34 : memref<1600xf32, #tpu.memory_space<hbm>>) target_semaphore(%arg18 : memref<!tpu.dma_semaphore, #tpu.memory_space<semaphore_mem>>)
      %dma_wait3A_35 = tpu.memref_slice %arg6[%add3A_13] : memref<819200xi32, #tpu.memory_space<hbm>> -> memref<1600xi32, #tpu.memory_space<hbm>>
      %dma_wait3A_36 = tpu.memref_slice %arg6[%add3A_13] : memref<819200xi32, #tpu.memory_space<hbm>> -> memref<1600xi32, #tpu.memory_space<hbm>>
      tpu.wait_dma2 semaphore(%arg18 : memref<!tpu.dma_semaphore, #tpu.memory_space<semaphore_mem>>) src(%arg12 : memref<1600xi32, #tpu.memory_space<vmem>>) dst(%dma_wait3A_36 : memref<1600xi32, #tpu.memory_space<hbm>>)
      %dma_wait3A_37 = tpu.memref_slice %arg7[%add3A_13] : memref<819200xi32, #tpu.memory_space<hbm>> -> memref<1600xi32, #tpu.memory_space<hbm>>
      %dma_wait3A_38 = tpu.memref_slice %arg7[%add3A_13] : memref<819200xi32, #tpu.memory_space<hbm>> -> memref<1600xi32, #tpu.memory_space<hbm>>
      tpu.wait_dma2 semaphore(%arg18 : memref<!tpu.dma_semaphore, #tpu.memory_space<semaphore_mem>>) src(%arg13 : memref<1600xi32, #tpu.memory_space<vmem>>) dst(%dma_wait3A_38 : memref<1600xi32, #tpu.memory_space<hbm>>)
      %dma_wait3A_39 = tpu.memref_slice %arg8[%add3A_13] : memref<819200xf32, #tpu.memory_space<hbm>> -> memref<1600xf32, #tpu.memory_space<hbm>>
      %dma_wait3A_40 = tpu.memref_slice %arg8[%add3A_13] : memref<819200xf32, #tpu.memory_space<hbm>> -> memref<1600xf32, #tpu.memory_space<hbm>>
      tpu.wait_dma2 semaphore(%arg18 : memref<!tpu.dma_semaphore, #tpu.memory_space<semaphore_mem>>) src(%arg14 : memref<1600xf32, #tpu.memory_space<vmem>>) dst(%dma_wait3A_40 : memref<1600xf32, #tpu.memory_space<hbm>>)
      %dma_wait3A_41 = tpu.memref_slice %arg9[%add3A_13] : memref<819200xf32, #tpu.memory_space<hbm>> -> memref<1600xf32, #tpu.memory_space<hbm>>
      %dma_wait3A_42 = tpu.memref_slice %arg9[%add3A_13] : memref<819200xf32, #tpu.memory_space<hbm>> -> memref<1600xf32, #tpu.memory_space<hbm>>
      tpu.wait_dma2 semaphore(%arg18 : memref<!tpu.dma_semaphore, #tpu.memory_space<semaphore_mem>>) src(%arg15 : memref<1600xf32, #tpu.memory_space<vmem>>) dst(%dma_wait3A_42 : memref<1600xf32, #tpu.memory_space<hbm>>)
      %scan3A_43 = arith.constant 0 : i32
      scf.yield %scan3A_43 : i32
    }
    %scan3A_8 = arith.constant 16 : i32
    return
  }
}

</mosaic_0001>

<sc_bundles>
// kernel: _prep_call.3.cloned.1.call-start
scs
__scs_entry_jumppad:
0x0: {  	(pc) =	sbr.rel $0x88, $3  }
0x1: {  	(tag) =	ssettag $0x0;
	lr =	simm.s32 $0x1  }
0x2: {  	[smem:$0x3F9D] =	sst lr;
	_ =	strace $0xD0000000  }
0x3: {  	_ = 	snop  }
0x4: {  	_ = 	snop  }
0x5: {  	_ = 	snop  }
0x6: {  	_ = 	snop  }
0x7: {  	_ = 	snop  }
__scs_overlays_trampoline_lowered:
0x8: {  	[smem:$0x3FAC] =	sst s0  }
0x9: {  	[smem:$0x3FAD] =	sst s1  }
0xa: {  	[smem:$0x3FAE] =	sst s2  }
0xb: {  	[smem:$0x3FAF] =	sst s3  }
0xc: {  	[smem:$0x3FB0] =	sst s4  }
0xd: {  	[smem:$0x3FB1] =	sst s5  }
0xe: {  	[smem:$0x3FB2] =	sst s6  }
0xf: {  	[smem:$0x3FB3] =	sst s7  }
0x10: {  	[smem:$0x3FB4] =	sst s8  }
0x11: {  	[smem:$0x3FB5] =	sst s9;
	s0 =	simm.s32 @!p0 $0x0  }
0x12: {  	s1 =	sld [smem:$0x3F9B];
	s0 =	simm.s32 @p0 $0x1  }
0x13: {  	[smem:$0x3FB6] =	sst s0;
	s0 =	simm.s32 @!p1 $0x0  }
0x14: {  	s2 =	sld [smem:$0x3F9A];
	s0 =	simm.s32 @p1 $0x1  }
0x15: {  	[smem:$0x3FB7] =	sst s0;
	s0 =	simm.s32 @!p2 $0x0  }
0x16: {  	s3 =	sld [smem:$0x3FDB];
	s0 =	simm.s32 @p2 $0x1  }
0x17: {  	s4 =	simm.s32 $0x1BF5;
	[smem:$0x3FB9] =	sst s0  }
0x18: {  	s0 =	sld [smem:$0x3F9C];
	_ =	swait.ge [sflag:s4], $0x0  }
0x19: {  	s7 =	sld [smem:$0x3F9D]  }
0x1a: {  	s8 =	sadd.s32 $0xFFFFE003, lr  }
0x1b: {  	s9 =	sadd.s32 $0xFFFFFEF7, lr;
	s5 =	simm.s32 $0xFFFFFFFF;
	p2 =	slt.u32 s8, $0xFFFFF086  }
0x1c: {  	p1 =	slt.u32 s9, $0xF7A;
	s5 =	simm.s32 @!p2 $0x0  }
0x1d: {  	s5 =	simm.s32 @p1 $0x1;
	p0 =	seq.s32 s7, s2  }
0x1e: {  	s7 =	smul.u32 @!p0 $0xF7A, s2;
	p2 =	seq.s32 @!p0 s5, $0x0  }
0x1f: {  	s9 =	smul.u32 $0xF7A, s1;
	s8 =	simm.s32 @!p0 $0x1BF5;
	p2 =	por !p2, p0  }
0x20: {  	[sflag:s8] =	ssyncset.s32 @!p0 $0xFFFFF086;
	s6 =	sadd.s32 @!p0 s3, s7;
	s7 =	simm.s32 @!p0 $0x108  }
0x21: {  	s3 =	sadd.s32 s3, s9;
	s6 =	sadd.s32 @!p0 $0x88, s6;
	s7 =	simm.s32 @p2 $0x1082  }
0x22: {  	[simem:s7], [sflag:s8] =	dma.local @!p0 [hbm:s6], $0xF7A  }
0x23: {  	s9 =	sor.u32 $0xD0000000, s2;
	s6 =	simm.s32 $0x108;
	_ =	swait.ge @!p0 [sflag:s8], $0x0  }
0x24: {  	s3 =	sadd.s32 $0x88, s3;
	s6 =	simm.s32 @!p1 $0x1082;
	[sflag:s4] =	ssyncset.s32 $0xFFFFF086  }
0x25: {  	[simem:s6], [sflag:s4] =	dma.local [hbm:s3], $0xF7A  }
0x26: {  	[smem:$0x3F9D] =	sst s1;
	(tag) =	ssettag s2;
	_ =	strace s9  }
0x27: {  	s1 =	sld [smem:$0x3FAD]  }
0x28: {  	s2 =	sld [smem:$0x3FAE]  }
0x29: {  	s4 =	sld [smem:$0x3FB0]  }
0x2a: {  	p0 =	seq.s32 s5, $0x0;
	s5 =	sld [smem:$0x3FB1]  }
0x2b: {  	s6 =	sld [smem:$0x3FB2]  }
0x2c: {  	s7 =	sld [smem:$0x3FB3]  }
0x2d: {  	s3 =	simm.s32 $0x108;
	s8 =	sld [smem:$0x3FB4]  }
0x2e: {  	s3 =	simm.s32 @!p0 $0x1082;
	s9 =	sld [smem:$0x3FB5]  }
0x2f: {  	lr =	sadd.s32 s0, s3;
	s0 =	sld [smem:$0x3FAC]  }
0x30: {  	s3 =	sld [smem:$0x3FAF]  }
0x31: {  	[smem:$0x3FB8] =	sst s10  }
0x32: {  	s10 =	sld [smem:$0x3FB6];
	_ =	sdelay $0x3  }
0x33: {  	p0 =	seq.s32 s10, $0x1;
	s10 =	sld [smem:$0x3FB8];
	_ =	sdelay $0x3  }
0x34: {  	[smem:$0x3FB8] =	sst s10  }
0x35: {  	s10 =	sld [smem:$0x3FB7];
	_ =	sdelay $0x3  }
0x36: {  	p1 =	seq.s32 s10, $0x1;
	s10 =	sld [smem:$0x3FB8];
	_ =	sdelay $0x3  }
0x37: {  	[smem:$0x3FB8] =	sst s10  }
0x38: {  	s10 =	sld [smem:$0x3FB9]  }
0x39: {  	_ = 	snop;
	(pc) =	sbr.ind lr, $3  }
0x3a: {  	_ = 	snop  }
0x3b: {  	_ = 	snop  }
0x3c: {  	p2 =	seq.s32 s10, $0x1;
	s10 =	sld [smem:$0x3FB8]  }
0x3d: {  	_ =	shalt  }
0x3e: {  	_ =	shalt  }
0x3f: {  	_ =	shalt  }
0x40: {  	_ =	shalt  }
0x41: {  	_ =	shalt  }
0x42: {  	_ =	shalt  }
0x43: {  	_ =	shalt  }
0x44: {  	_ =	shalt  }
0x45: {  	_ =	shalt  }
0x46: {  	_ =	shalt  }
0x47: {  	_ =	shalt  }
0x48: {  	_ =	shalt  }
0x49: {  	_ =	shalt  }
0x4a: {  	_ =	shalt  }
0x4b: {  	_ =	shalt  }
0x4c: {  	_ =	shalt  }
0x4d: {  	_ =	shalt  }
0x4e: {  	_ =	shalt  }
0x4f: {  	_ =	shalt  }
0x50: {  	_ =	shalt  }
0x51: {  	_ =	shalt  }
0x52: {  	_ =	shalt  }
0x53: {  	_ =	shalt  }
0x54: {  	_ =	shalt  }
0x55: {  	_ =	shalt  }
0x56: {  	_ =	shalt  }
0x57: {  	_ =	shalt  }
0x58: {  	_ =	shalt  }
0x59: {  	_ =	shalt  }
0x5a: {  	_ =	shalt  }
0x5b: {  	_ =	shalt  }
0x5c: {  	_ =	shalt  }
0x5d: {  	_ =	shalt  }
0x5e: {  	_ =	shalt  }
0x5f: {  	_ =	shalt  }
0x60: {  	_ =	shalt  }
0x61: {  	_ =	shalt  }
0x62: {  	_ =	shalt  }
0x63: {  	_ =	shalt  }
0x64: {  	_ =	shalt  }
0x65: {  	_ =	shalt  }
0x66: {  	_ =	shalt  }
0x67: {  	_ =	shalt  }
0x68: {  	_ =	shalt  }
0x69: {  	_ =	shalt  }
0x6a: {  	_ =	shalt  }
0x6b: {  	_ =	shalt  }
0x6c: {  	_ =	shalt  }
0x6d: {  	_ =	shalt  }
0x6e: {  	_ =	shalt  }
0x6f: {  	_ =	shalt  }
0x70: {  	_ =	shalt  }
0x71: {  	_ =	shalt  }
0x72: {  	_ =	shalt  }
0x73: {  	_ =	shalt  }
0x74: {  	_ =	shalt  }
0x75: {  	_ =	shalt  }
0x76: {  	_ =	shalt  }
0x77: {  	_ =	shalt  }
0x78: {  	_ =	shalt  }
0x79: {  	_ =	shalt  }
0x7a: {  	_ =	shalt  }
0x7b: {  	_ =	shalt  }
0x7c: {  	_ =	shalt  }
0x7d: {  	_ =	shalt  }
0x7e: {  	_ =	shalt  }
0x7f: {  	_ =	shalt  }
0x80: {  	_ =	shalt  }
0x81: {  	_ =	shalt  }
0x82: {  	_ =	shalt  }
0x83: {  	_ =	shalt  }
0x84: {  	_ =	shalt  }
0x85: {  	_ =	shalt  }
0x86: {  	_ =	shalt  }
0x87: {  	_ =	shalt  }
.Lfunc_end0:
.L_simem_size_0:
called_computation_lowered:
.L_overlay_start_0:
0x88: {  	s2 =	sld [smem:$0x3FD9]  }
0x89: {  	s3 =	sld [smem:$0x3FFE];
	_ =	sdelay $0x1  }
0x8a: {  	s1 =	srdreg.scid  }
0x8b: {  	s0 =	sand.u32 $0x1, s1  }
0x8c: {  	s15 =	sshll.u32 s0, $0xA;
	s2 =	sadd.s32 s3, s2  }
0x8d: {  	s2 =	sadd.s32 s2, s15  }
0x8e: {  	[smem:$0x3FC4] =	sst s2  }
0x8f: {  	_ = 	snop  }
0x90: {  	s2 =	sld [smem:$0x3FC9]  }
0x91: {  	s16 =	sld [smem:$0x3FD0]  }
0x92: {  	s4 =	sld [smem:$0x3FC8]  }
0x93: {  	s5 =	sld [smem:$0x3FC7]  }
0x94: {  	s7 =	simm.s32 $0xA;
	s8 =	simm.s32 $0x10;
	s6 =	sld [smem:$0x3FC6]  }
0x95: {  	[smem:s8], [sflag:s7] =	dma.local [hbm:s16], $0x1  }
0x96: {  	_ =	swait.eq [sflag:s7], $0x1  }
0x97: {  	s17 =	sld [smem:$0x10]  }
0x98: {  	s18 =	sld [smem:$0x11];
	[sflag:s7] =	ssyncset.done $0x0  }
0x99: {  	s9 =	sld [smem:$0x12];
	[sflag:s7] =	ssyncadd.s32 $0xFFFFFFFF  }
0x9a: {  	s19 =	sld [smem:$0x13];
	(tm) =	ssettm $0x1  }
0x9b: {  	s10 =	sld [smem:$0x3FFB];
	_ =	sdelay $0x3  }
0x9c: {  	_ =	strace s10  }
0x9d: {  	s10 =	sld [smem:$0x3FFC];
	_ =	sdelay $0x3  }
0x9e: {  	_ =	strace s10  }
0x9f: {  	s10 =	sld [smem:$0x3FFD];
	_ =	sdelay $0x3  }
0xa0: {  	_ =	strace s10  }
0xa1: {  	_ =	strace $0x8FFFFFFF  }
0xa2: {  	s20 =	sld [smem:$0x3FDB];
	_ =	sdelay $0x1  }
0xa3: {  	s11 =	simm.s32 $_scs_section_size  }
0xa4: {  	s12 =	simm.s32 $_size__tile_overlayer_lowered;
	s13 =	simm.s32 $_tile_overlayer_lowered  }
0xa5: {  	s23 =	simm.s32 $0x1BFF;
	s22 =	sshll.u32 s13, $0x1;
	s10 =	sadd.s32 s11, s20  }
0xa6: {  	s14 =	simm.s32 $0x0;
	s21 =	sshll.u32 s12, $0x1;
	s12 =	sadd.s32 s22, s10  }
0xa7: {  	[timem:s14], [sflag:s23] =	dma.local [hbm:s12], s21  }
0xa8: {  	_ =	swait.ge [sflag:s23], s21  }
0xa9: {  	s11 =	ssub.s32 $0x0, s21;
	[sflag:s23] =	ssyncset.done $0x0  }
0xaa: {  	[sflag:s23] =	ssyncadd.s32 s11;
	_ =	sdelay $0x1  }
0xab: {  	s24 =	simm.s32 $0x1B8B  }
0xac: {  	_ =	swait.ge [sflag:s24], $0x1  }
0xad: {  	[sflag:s24] =	ssyncset.done $0x0  }
0xae: {  	s25 =	simm.s32 $0x1B8E;
	[sflag:s24] =	ssyncadd.s32 $0xFFFFFFFF  }
0xaf: {  	s26 =	simm.s32 $execute0_lowered;
	[smem:$0x3FD2] =	sst s25  }
0xb0: {  	s11 =	sshll.u32 s26, $0x1;
	_ =	strace $0x80000046;
	[dreg:$0x1] =	wrdreg $0xFFFFFFFF  }
0xb1: {  	s28 =	simm.s32 $_size_execute0_lowered;
	s10 =	sadd.s32 s10, s11;
	[dreg:$0x0] =	wrdreg $0x0  }
0xb2: {  	s11 =	sshll.u32 s28, $0x1;
	[dreg:$0x2] =	wrdreg s10  }
0xb3: {  	[dreg:$0x3] =	wrdreg s11  }
0xb4: {  	[dreg:$0x4] =	wrdreg $0xC0  }
0xb5: {  	_ =	task [dreg:s14], $0x5FFFF  }
0xb6: {  	[dreg:$0x1] =	wrdreg $0xFFFFFFFF  }
0xb7: {  	[dreg:$0x0] =	wrdreg $0x60  }
0xb8: {  	[dreg:$0x2] =	wrdreg s2  }
0xb9: {  	[dreg:$0x3] =	wrdreg s4  }
0xba: {  	[dreg:$0x4] =	wrdreg s5  }
0xbb: {  	[dreg:$0x5] =	wrdreg s6  }
0xbc: {  	[dreg:$0x6] =	wrdreg s17  }
0xbd: {  	[dreg:$0x7] =	wrdreg s18  }
0xbe: {  	[dreg:$0x8] =	wrdreg s9  }
0xbf: {  	[dreg:$0x9] =	wrdreg s19  }
0xc0: {  	[dreg:$0xa] =	wrdreg $0x9  }
0xc1: {  	_ =	task.clear_ibuf [dreg:s14], $0xBFFFF;
	_ =	strace $0x90000046  }
0xc2: {  	s29 =	simm.s32 $0x9;
	_ =	strace $0x80000048  }
0xc3: {  	_ =	swait.ge [sflag:s29], $0x1  }
0xc4: {  	[sflag:s29] =	ssyncadd.s32 $0xFFFFFFFF  }
0xc5: {  	_ =	strace $0x90000048  }
0xc6: {  	_ =	sfence  }
0xc7: {  	s30 =	sld [smem:$0x0];
	_ =	sdelay $0x2  }
0xc8: {  	s31 =	sshll.u32 s1, $0xD;
	s1 =	sshrl.u32 s1, $0x2  }
0xc9: {  	s3 =	sand.u32 $0x4000, s31;
	s1 =	sadd.s32 s1, s30  }
0xca: {  	s0 =	sor.u32 s3, s0;
	s1 =	sshll.u32 s1, $0x11  }
0xcb: {  	s0 =	sor.u32 s1, s0  }
0xcc: {  	s0 =	sadd.s32 $0x8F2B, s0  }
0xcd: {  	[sflag:s0] =	ssyncadd.remote.s32 $0x1  }
0xce: {  	_ =	sfence.sel $0xFFFF  }
0xcf: {  	[dreg:$0x0] =	wrdreg $0xFFFFFFFF;
	(pc) =	sbr.abs _section_cstart, $3  }
0xd0: {  	[dreg:$0x1] =	wrdreg $0xFFFFFFFF  }
0xd1: {  	_ =	task.clear_ibuf [dreg:s14], $0x2FFFF;
	_ =	strace $0x9FFFFFFF  }
0xd2: {  	(tm) =	ssettm $0x7FFFFFFF  }
0xd3: {  	_ =	shalt  }
tec
execute0_lowered:
.L_overlay_start_1:
0x0: {  	(tag) =	ssettag $0x1  }
0x1: {  	s0 =	rddreg [dreg:$0x0]  }
0x2: {  	s1 =	rddreg [dreg:$0x1]  }
0x3: {  	s3 =	rddreg [dreg:$0x2]  }
0x4: {  	s4 =	rddreg [dreg:$0x3]  }
0x5: {  	s5 =	rddreg [dreg:$0x4]  }
0x6: {  	s6 =	rddreg [dreg:$0x5]  }
0x7: {  	s7 =	rddreg [dreg:$0x6]  }
0x8: {  	s8 =	rddreg [dreg:$0x7];
	s9 =	simm.s32 $0x0  }
0x9: {  	[smem:$0x7FF] =	sst s9  }
0xa: {  	s2 =	rddreg [dreg:$0x8];
	v0 =	vimm.f32 $5.000000070e-02;
	_ =	strace $0x80000047  }
0xb: {  	(erf) = vrcp.f32 v0;
	_ =	sdelay $0x2  }
0xc: {  	s10 =	srdreg.scid;
	s15 =	simm.s32 $0xEA80  }
0xd: {  	s16 =	simm.s32 $0x680;
	s17 =	simm.s32 $0x1;
	s18 =	simm.s32 $0xD00  }
0xe: {  	s19 =	simm.s32 $0x1380;
	s20 =	simm.s32 $0x1A00;
	s11 =	sand.u32 $0x1, s10  }
0xf: {  	s21 =	simm.s32 $0x2080;
	s10 =	stileid.u32;
	s12 =	ssub.s32 $0x2, s11  }
0x10: {  	s22 =	simm.s32 $0x0;
	s14 =	sshll.u32 s10, $0x1;
	s13 =	sshrl.u32 s12, $0x1  }
0x11: {  	s11 =	sor.u32 s11, s14;
	s14 =	simm.s32 $0x2;
	s12 =	ssub.s32 s12, s13  }
0x12: {  	s11 =	smul.u32 $0x6400, s11;
	s13 =	simm.s32 $0x2700;
	s12 =	smax.u32 s12, $0x1;
	v0 =	vpop (erf)  }
.LBB2_1:
0x13: {  	[tilespmem:s13], [sflag:$0x2] =	stream.linear.gather [hbm4b:s3+s9], $0xC380, $0x38;
	[tilespmem:$0x1AE00] =	vst v63  }
0x14: {  	_ =	swait.ge [sflag:s14], $0xC380  }
0x15: {  	[sflag:s14] =	ssyncset.done $0x0  }
0x16: {  	[sflag:s14] =	ssyncadd.s32 $0xFFFF3C80  }
0x17: {  	[tilespmem:s15], [sflag:$0x2] =	stream.linear.gather [hbm4b:s4+s9], $0xC380, $0x38;
	[tilespmem:$0x1AE00] =	vst v63  }
0x18: {  	_ =	swait.ge [sflag:s14], $0xC380  }
0x19: {  	[sflag:s14] =	ssyncset.done $0x0  }
0x1a: {  	s23 =	simm.s32 $0x0;
	[sflag:s14] =	ssyncadd.s32 $0xFFFF3C80  }
.LBB2_2:
0x1b: {  	s24 =	smul.u32 $0x640, s23;
	_ =	sdelay $0x1  }
0x1c: {  	s24 =	sadd.s32 s11, s24  }
0x1d: {  	s24 =	sshrl.u32 s24, $0x3  }
0x1e: {  	s26 =	simm.s32 $0x0;
	s25 =	sadd.s32 s0, s24  }
0x1f: {  	[tilespmem:s26], [sflag:$0x1] =	stream.linear.gather [hbm4b:s25+s26], $0x640, $0x38;
	[tilespmem:$0x1AE00] =	vst v63  }
0x20: {  	s31 =	sadd.s32 s1, s24  }
0x21: {  	[tilespmem:s16], [sflag:$0x1] =	stream.linear.gather [hbm4b:s31+s26], $0x640, $0x38;
	[tilespmem:$0x1AE00] =	vst v63  }
0x22: {  	_ =	swait.ge [sflag:s17], $0x640  }
0x23: {  	[sflag:s17] =	ssyncset.done $0x0  }
0x24: {  	[sflag:s17] =	ssyncadd.s32 $0xFFFFF9C0  }
0x25: {  	_ =	swait.ge [sflag:s17], $0x640  }
0x26: {  	[sflag:s17] =	ssyncset.done $0x0  }
0x27: {  	s25 =	simm.s32 $0x0;
	[sflag:s17] =	ssyncadd.s32 $0xFFFFF9C0  }
0x28: {  	v1 =	vld [tilespmem:s25+$0x0];
	_ =	sdelay $0x1  }
0x29: {  	v2 =	vld [tilespmem:s25+$0x680];
	_ =	sdelay $0x5  }
0x2a: {  	v3 =	vld.idx.msk [tilespmem:v1+s13+$0x0], $0xffff  }
0x2b: {  	v4 =	vld.idx.msk [tilespmem:v1+s15+$0x0], $0xffff  }
0x2c: {  	v5 =	vld.idx.msk [tilespmem:v2+s13+$0x0], $0xffff  }
0x2d: {  	v6 =	vld.idx.msk [tilespmem:v2+s15+$0x0], $0xffff;
	_ =	sdelay $0x3  }
0x2e: {  	[tilespmem:s25+$0xD00] =	vst v1;
	v3 =	vsub.f32 v5, v3  }
0x2f: {  	s26 =	simm.s32 $0x10;
	[tilespmem:s25+$0x1380] =	vst v2;
	v4 =	vsub.f32 v6, v4  }
0x30: {  	v1 =	vld [tilespmem:s26+$0x0];
	v3 =	vmul.f32 v3, v0  }
0x31: {  	v5 =	vmul.f32 v4, v0  }
0x32: {  	v2 =	vld [tilespmem:s26+$0x680];
	v4 =	vadd.f32 $5.000000000e-01, v3  }
0x33: {  	s28 =	simm.s32 $0x80;
	v3 =	vadd.f32 $5.000000000e-01, v5  }
.LBB2_3:
0x34: {  	p0 =	sne.s32 s28, $0x18C0;
	v4 =	vmax.f32 v4, $0.0e+00;
	s29 =	smov.u32 s28;
	s28 =	sadd.s32 $0x40, s28  }
0x35: {  	v4 =	vmin.f32 v4, $1.000000000e+00;
	v3 =	vmax.f32 v3, $0.0e+00  }
0x36: {  	v3 =	vmin.f32 v3, $1.000000000e+00;
	[tilespmem:s25+$0x1A00] =	vst v4  }
0x37: {  	[tilespmem:s25+$0x2080] =	vst v3;
	s25 =	smov.u32 s26  }
0x38: {  	v3 =	vld.idx.msk [tilespmem:v1+s13+$0x0], $0xffff  }
0x39: {  	v4 =	vld.idx.msk [tilespmem:v1+s15+$0x0], $0xffff  }
0x3a: {  	v5 =	vld.idx.msk [tilespmem:v2+s13+$0x0], $0xffff  }
0x3b: {  	v6 =	vld.idx.msk [tilespmem:v2+s15+$0x0], $0xffff  }
0x3c: {  	[tilespmem:s25+$0xD00] =	vst v1  }
0x3d: {  	[tilespmem:s25+$0x1380] =	vst v2;
	_ =	sdelay $0x2  }
0x3e: {  	v2 =	vsub.f32 v5, v3  }
.Ltmp0:
0x3f: {  	s26 =	sshra.s32 s29, $0x2;
	v3 =	vsub.f32 v6, v4;
	(pc) =	sbr.rel @p0 .LBB2_3-.Ltmp0, $4  }
0x40: {  	v4 =	vmul.f32 v2, v0;
	v1 =	vld [tilespmem:s26+$0x0]  }
0x41: {  	v3 =	vmul.f32 v3, v0;
	v2 =	vld [tilespmem:s26+$0x680]  }
0x42: {  	v4 =	vadd.f32 $5.000000000e-01, v4  }
0x43: {  	v3 =	vadd.f32 $5.000000000e-01, v3  }
0x44: {  	_ = 	snop  }
0x45: {  	v4 =	vmax.f32 v4, $0.0e+00  }
0x46: {  	v4 =	vmin.f32 v4, $1.000000000e+00;
	v3 =	vmax.f32 v3, $0.0e+00  }
0x47: {  	v3 =	vmin.f32 v3, $1.000000000e+00;
	[tilespmem:s25+$0x1A00] =	vst v4  }
0x48: {  	[tilespmem:s25+$0x2080] =	vst v3  }
0x49: {  	v3 =	vld.idx.msk [tilespmem:v1+s13+$0x0], $0xffff  }
0x4a: {  	v4 =	vld.idx.msk [tilespmem:v1+s15+$0x0], $0xffff  }
0x4b: {  	v5 =	vld.idx.msk [tilespmem:v2+s13+$0x0], $0xffff  }
0x4c: {  	v6 =	vld.idx.msk [tilespmem:v2+s15+$0x0], $0xffff;
	_ =	sdelay $0x3  }
0x4d: {  	v3 =	vsub.f32 v5, v3  }
0x4e: {  	v4 =	vsub.f32 v6, v4  }
0x4f: {  	v3 =	vmul.f32 v3, v0  }
0x50: {  	v4 =	vmul.f32 v4, v0  }
0x51: {  	v3 =	vadd.f32 $5.000000000e-01, v3  }
0x52: {  	v4 =	vadd.f32 $5.000000000e-01, v4  }
0x53: {  	[tilespmem:s26+$0xD00] =	vst v1;
	v1 =	vmax.f32 v3, $0.0e+00  }
0x54: {  	[tilespmem:s26+$0x1380] =	vst v2;
	v2 =	vmax.f32 v4, $0.0e+00;
	v1 =	vmin.f32 v1, $1.000000000e+00  }
0x55: {  	v2 =	vmin.f32 v2, $1.000000000e+00;
	[tilespmem:s26+$0x1A00] =	vst v1  }
0x56: {  	s28 =	sadd.s32 s5, s24;
	[tilespmem:s26+$0x2080] =	vst v2  }
0x57: {  	[hbm4b:s28+s9] =	stream.linear.scatter [tilespmem:s18], [sflag:$0x1], $0x640, $0x38;
	[tilespmem:$0x1AE00] =	vst v63  }
0x58: {  	s29 =	sadd.s32 s6, s24  }
0x59: {  	[hbm4b:s29+s9] =	stream.linear.scatter [tilespmem:s19], [sflag:$0x1], $0x640, $0x38;
	[tilespmem:$0x1AE00] =	vst v63  }
0x5a: {  	s30 =	sadd.s32 s7, s24  }
0x5b: {  	[hbm4b:s30+s9] =	stream.linear.scatter [tilespmem:s20], [sflag:$0x1], $0x640, $0x38;
	[tilespmem:$0x1AE00] =	vst v63  }
0x5c: {  	s31 =	sadd.s32 s8, s24  }
0x5d: {  	[hbm4b:s31+s9] =	stream.linear.scatter [tilespmem:s21], [sflag:$0x1], $0x640, $0x38;
	[tilespmem:$0x1AE00] =	vst v63  }
0x5e: {  	_ =	swait.ge [sflag:s17], $0x640  }
0x5f: {  	[sflag:s17] =	ssyncset.done $0x0  }
0x60: {  	[sflag:s17] =	ssyncadd.s32 $0xFFFFF9C0  }
0x61: {  	_ =	swait.ge [sflag:s17], $0x640  }
0x62: {  	[sflag:s17] =	ssyncset.done $0x0  }
0x63: {  	s23 =	sadd.s32 $0x1, s23;
	[sflag:s17] =	ssyncadd.s32 $0xFFFFF9C0  }
0x64: {  	p0 =	sne.s32 s23, $0x10;
	_ =	swait.ge [sflag:s17], $0x640  }
.Ltmp1:
0x65: {  	[sflag:s17] =	ssyncset.done $0x0;
	(pc) =	sbr.rel @p0 .LBB2_2-.Ltmp1, $4  }
0x66: {  	[sflag:s17] =	ssyncadd.s32 $0xFFFFF9C0  }
0x67: {  	_ =	swait.ge [sflag:s17], $0x640  }
0x68: {  	[sflag:s17] =	ssyncset.done $0x0  }
0x69: {  	[sflag:s17] =	ssyncadd.s32 $0xFFFFF9C0  }
0x6a: {  	s22 =	sadd.s32 $0x1, s22  }
0x6b: {  	p0 =	sne.s32 s22, s12  }
.Ltmp2:
0x6c: {  	_ = 	snop;
	(pc) =	sbr.rel @p0 .LBB2_1-.Ltmp2, $1  }
0x6d: {  	_ =	sdelay $0x3  }
0x6e: {  	_ =	sfence.sel $0x180000  }
0x6f: {  	[bflag:$0x0] =	sbarrier.arrive $0xFFFF  }
0x70: {  	p0 =	sne.s32 s10, $0x0;
	_ =	strace $0x90000047  }
0x71: {  	s0 =	sadd.s32 @!p0 $0x100000, s2;
	[bflag:$0x2] =	sbarrier.arrive $0xFFFF  }
0x72: {  	[sflag:s0] =	ssyncadd.tile.s32 @!p0 $0x1;
	_ =	shalt  }
.Lfunc_end2:
_tile_overlayer_lowered:
.L_overlay_start_2:
0x73: {  	(tag) =	ssettag $0x2  }
0x74: {  	s0 =	rddreg [dreg:$0x0];
	s2 =	stileid.u32  }
0x75: {  	s1 =	rddreg [dreg:$0x1];
	p0 =	sne.s32 s2, $0x0  }
0x76: {  	s3 =	rddreg [dreg:$0x2];
	[bflag:$0x3] =	sbarrier.arrive $0xFFFF;
	s2 =	simm.s32 @!p0 $0x1C02  }
0x77: {  	[timem:s3], [sflag:s2] =	dma.local @!p0 [hbm:s0], s1  }
0x78: {  	s0 =	simm.s32 @!p0 $0x2  }
0x79: {  	_ =	swait.ge @!p0 [sflag:s0], s1  }
0x7a: {  	s1 =	ssub.s32 @!p0 $0x0, s1;
	[sflag:s0] =	ssyncset.done @!p0 $0x0  }
0x7b: {  	[sflag:s0] =	ssyncadd.s32 @!p0 s1  }
0x7c: {  	[bflag:$0x3] =	sbarrier.arrive $0xFFFF  }
0x7d: {  	_ =	shalt  }

</sc_bundles>
